<compile_context>
chip_gen: v7x
topology: tpu7x:2x2x1
jax: 0.10.2.dev20260603
libtpu: 0.0.44.dev20260713+nightly
codegen_flags: <defaults>
</compile_context>

<pallas_src>
import functools

import jax
import jax.numpy as jnp
from jax import lax
from jax.experimental import pallas as pl
from jax.experimental.pallas import tpu as pltpu
from jax.experimental.pallas import tpu_sc as plsc

NC = 2
NS = 16
NW = NC * NS


def _build_gather(batch: int, hist: int, emb_dim: int):
    assert batch % NW == 0
    bpw = batch // NW
    pair = 2
    assert hist % pair == 0
    n_steps = hist // pair
    nbuf = 3
    ahead = 2
    assert (n_steps - 1) % nbuf == 0

    mesh = plsc.VectorSubcoreMesh(core_axis_name="c", subcore_axis_name="s")

    @functools.partial(
        pl.kernel,
        out_type=jax.ShapeDtypeStruct((hist, batch, emb_dim), jnp.float32),
        mesh=mesh,
        compiler_params=pltpu.CompilerParams(use_tc_tiling_on_sc=True),
        scratch_types=[
            pltpu.VMEM((1, hist * bpw), jnp.int32),
            [pltpu.VMEM((pair * bpw, emb_dim), jnp.float32) for _ in range(nbuf)],
            [pltpu.SemaphoreType.DMA for _ in range(nbuf)],
            [pltpu.SemaphoreType.DMA for _ in range(nbuf)],
        ],
    )
    def gather_kernel(ids_hbm, table_hbm, out_hbm, idx_v, bufs, gsems, wsems):
        w = lax.axis_index("s") * NC + lax.axis_index("c")
        pltpu.sync_copy(ids_hbm.at[w], idx_v)

        def fire_gather(p, b):
            pltpu.async_copy(
                table_hbm.at[idx_v.at[0, pl.ds(p * pair * bpw, pair * bpw)]],
                bufs[b], gsems[b])

        def wait_gather(p, b):
            pltpu.make_async_copy(
                table_hbm.at[idx_v.at[0, pl.ds(p * pair * bpw, pair * bpw)]],
                bufs[b], gsems[b]).wait()

        def fire_write(p, b):
            for r in range(pair):
                pltpu.async_copy(
                    bufs[b].at[pl.ds(r * bpw, bpw)],
                    out_hbm.at[p * pair + r, pl.ds(w * bpw, bpw)], wsems[b])

        def wait_write(p, b):
            for r in range(pair):
                pltpu.make_async_copy(
                    bufs[b].at[pl.ds(r * bpw, bpw)],
                    out_hbm.at[p * pair + r, pl.ds(w * bpw, bpw)], wsems[b]).wait()

        for p in range(ahead):
            fire_gather(p, p % nbuf)
        wait_gather(0, 0)
        fire_write(0, 0)
        fire_gather(ahead, ahead % nbuf)

        def step(k, carry):
            for i in range(nbuf):
                p = 1 + k * nbuf + i
                b = (1 + i) % nbuf
                wait_gather(p, b)
                fire_write(p, b)
                bn = (b + ahead) % nbuf
                wait_write(p - (nbuf - ahead), bn)

                @pl.when(p + ahead < n_steps)
                def _():
                    fire_gather(p + ahead, bn)
            return carry

        lax.fori_loop(0, (n_steps - 1) // nbuf, step, 0)

        for p in range(n_steps - nbuf + ahead, n_steps):
            wait_write(p, p % nbuf)

    return gather_kernel


def kernel(ids, table):
    b, l = ids.shape
    bpw = b // NW
    ids_flat = (ids.T.astype(jnp.int32)
                .reshape(l, NW, bpw).transpose(1, 0, 2).reshape(NW, 1, l * bpw))
    out_t = _build_gather(b, l, table.shape[1])(ids_flat, table)
    return out_t.transpose(1, 0, 2)

# --- scband reference (transcript-rebuilt; emitter-appended) ---
"""Pipeline reference for scband-embedder-3478923510379 (READ-ONLY COPY).

The authoritative reference and input builder live on the scoring server;
editing this copy changes nothing except your own understanding.
"""

import jax, jax.numpy as jnp
import numpy as np

VOCAB_SIZE = 100000
EMB_DIM = 128
BATCH = 4096
HIST_LEN = 50


def setup_inputs(seed: int = 0) -> dict:
    key = jax.random.key(seed)
    k_ids, k_tab = jax.random.split(key)
    ids = jax.random.randint(k_ids, (BATCH, HIST_LEN), 0, VOCAB_SIZE, dtype=jnp.int64 if jax.config.jax_enable_x64 else jnp.int32)
    # Learned embedding table (texar WordEmbedder default init ~ uniform/normal; use scaled normal)
    table = jax.random.normal(k_tab, (VOCAB_SIZE, EMB_DIM), dtype=jnp.float32) * 0.02
    return {"ids": ids, "table": table}


def reference(ids, table):
    # texar WordEmbedder forward: embedding lookup (dropout disabled at eval)
    out = jnp.take(table, ids, axis=0)  # [B, L, D]
    return out

if __name__ == "__main__":
    import jax
    _d = setup_inputs()
    print(jax.jit(kernel)(*tuple(_d.values())))

</pallas_src>

<mosaic_0001>
#map = affine_map<(d0, d1) -> (0, 0, 0)>
#map1 = affine_map<(d0, d1) -> (0, 0)>
module attributes {stable_mosaic.version = 14 : i64} {
  func.func @gather_kernel(%arg0: i32, %arg1: i32, %arg2: memref<32x1x6400xi32, #tpu.memory_space<hbm>>, %arg3: memref<100000x128xf32, #tpu.memory_space<hbm>>, %arg4: memref<50x4096x128xf32, #tpu.memory_space<hbm>>, %arg5: memref<1x6400xi32, #tpu.memory_space<vmem>>, %arg6: memref<256x128xf32, #tpu.memory_space<vmem>>, %arg7: memref<256x128xf32, #tpu.memory_space<vmem>>, %arg8: memref<256x128xf32, #tpu.memory_space<vmem>>, %arg9: memref<!tpu.dma_semaphore, #tpu.memory_space<semaphore_mem>>, %arg10: memref<!tpu.dma_semaphore, #tpu.memory_space<semaphore_mem>>, %arg11: memref<!tpu.dma_semaphore, #tpu.memory_space<semaphore_mem>>, %arg12: memref<!tpu.dma_semaphore, #tpu.memory_space<semaphore_mem>>, %arg13: memref<!tpu.dma_semaphore, #tpu.memory_space<semaphore_mem>>, %arg14: memref<!tpu.dma_semaphore, #tpu.memory_space<semaphore_mem>>) attributes {dimension_semantics = [#tpu.dimension_semantics<core_parallel>, #tpu.dimension_semantics<subcore_parallel>], iteration_bounds = array<i64: 2, 16>, scalar_prefetch = 0 : i64, scratch_operands = 10 : i64, tpu.core_type = #tpu.core_type<sc_vector_subcore>, window_params = [{transform_indices = #map}, {transform_indices = #map1}, {transform_indices = #map}]} {
    %mul3A = arith.constant 2 : i32
    %mul3A_0 = arith.muli %arg1, %mul3A : i32
    %add3A = arith.addi %mul3A_0, %arg0 : i32
    "tpu.region"() ({
      %run_scoped3A = tpu.sem_alloc : memref<!tpu.dma_semaphore, #tpu.memory_space<semaphore_mem>>
      %dma_start3A_92 = arith.constant 0 : i32
      %dma_start3A_93 = arith.constant 0 : i32
      %dma_start3A_94 = tpu.memref_slice %arg2[%add3A, %dma_start3A_92, %dma_start3A_93] : memref<32x1x6400xi32, #tpu.memory_space<hbm>> -> memref<1x1x6400xi32, #tpu.memory_space<hbm>>
      %dma_start3A_95 = tpu.memref_squeeze %dma_start3A_94 : memref<1x1x6400xi32, #tpu.memory_space<hbm>> -> memref<1x6400xi32, #tpu.memory_space<hbm>>
      %dma_start3A_96 = arith.constant 0 : i32
      %dma_start3A_97 = arith.constant 0 : i32
      %dma_start3A_98 = tpu.memref_slice %arg2[%add3A, %dma_start3A_96, %dma_start3A_97] : memref<32x1x6400xi32, #tpu.memory_space<hbm>> -> memref<1x1x6400xi32, #tpu.memory_space<hbm>>
      %dma_start3A_99 = tpu.memref_squeeze %dma_start3A_98 : memref<1x1x6400xi32, #tpu.memory_space<hbm>> -> memref<1x6400xi32, #tpu.memory_space<hbm>>
      tpu.enqueue_dma source(%dma_start3A_99 : memref<1x6400xi32, #tpu.memory_space<hbm>>) target(%arg5 : memref<1x6400xi32, #tpu.memory_space<vmem>>) target_semaphore(%run_scoped3A : memref<!tpu.dma_semaphore, #tpu.memory_space<semaphore_mem>>)
      %dma_wait3A_100 = arith.constant 0 : i32
      %dma_wait3A_101 = arith.constant 0 : i32
      %dma_wait3A_102 = tpu.memref_slice %arg2[%add3A, %dma_wait3A_100, %dma_wait3A_101] : memref<32x1x6400xi32, #tpu.memory_space<hbm>> -> memref<1x1x6400xi32, #tpu.memory_space<hbm>>
      %dma_wait3A_103 = tpu.memref_squeeze %dma_wait3A_102 : memref<1x1x6400xi32, #tpu.memory_space<hbm>> -> memref<1x6400xi32, #tpu.memory_space<hbm>>
      %dma_wait3A_104 = arith.constant 0 : i32
      %dma_wait3A_105 = arith.constant 0 : i32
      %dma_wait3A_106 = tpu.memref_slice %arg2[%add3A, %dma_wait3A_104, %dma_wait3A_105] : memref<32x1x6400xi32, #tpu.memory_space<hbm>> -> memref<1x1x6400xi32, #tpu.memory_space<hbm>>
      %dma_wait3A_107 = tpu.memref_squeeze %dma_wait3A_106 : memref<1x1x6400xi32, #tpu.memory_space<hbm>> -> memref<1x6400xi32, #tpu.memory_space<hbm>>
      tpu.wait_dma2 semaphore(%run_scoped3A : memref<!tpu.dma_semaphore, #tpu.memory_space<semaphore_mem>>) src(%dma_wait3A_107 : memref<1x6400xi32, #tpu.memory_space<hbm>>) dst(%arg5 : memref<1x6400xi32, #tpu.memory_space<vmem>>)
      tpu.yield
    }) : () -> ()
    %dma_start3A = arith.constant 0 : i32
    %dma_start3A_1 = arith.constant 0 : i32
    %dma_start3A_2 = tpu.memref_slice %arg5[%dma_start3A, %dma_start3A_1] : memref<1x6400xi32, #tpu.memory_space<vmem>> -> memref<1x256xi32, #tpu.memory_space<vmem>>
    %dma_start3A_3 = tpu.memref_squeeze %dma_start3A_2 : memref<1x256xi32, #tpu.memory_space<vmem>> -> memref<256xi32, #tpu.memory_space<vmem>>
    %dma_start3A_4 = arith.constant 0 : i32
    %dma_start3A_5 = arith.constant 0 : i32
    %dma_start3A_6 = tpu.memref_slice %arg3[%dma_start3A_4, %dma_start3A_5] : memref<100000x128xf32, #tpu.memory_space<hbm>> -> memref<100000x128xf32, #tpu.memory_space<hbm>>
    tpu.enqueue_indirect_dma source(%dma_start3A_6 : memref<100000x128xf32, #tpu.memory_space<hbm>>) target(%arg6 : memref<256x128xf32, #tpu.memory_space<vmem>>) offsets(%dma_start3A_3 : memref<256xi32, #tpu.memory_space<vmem>>) semaphore(%arg9 : memref<!tpu.dma_semaphore, #tpu.memory_space<semaphore_mem>>)
    %dma_start3A_7 = arith.constant 0 : i32
    %dma_start3A_8 = arith.constant 256 : i32
    %dma_start3A_9 = tpu.memref_slice %arg5[%dma_start3A_7, %dma_start3A_8] : memref<1x6400xi32, #tpu.memory_space<vmem>> -> memref<1x256xi32, #tpu.memory_space<vmem>>
    %dma_start3A_10 = tpu.memref_squeeze %dma_start3A_9 : memref<1x256xi32, #tpu.memory_space<vmem>> -> memref<256xi32, #tpu.memory_space<vmem>>
    %dma_start3A_11 = arith.constant 0 : i32
    %dma_start3A_12 = arith.constant 0 : i32
    %dma_start3A_13 = tpu.memref_slice %arg3[%dma_start3A_11, %dma_start3A_12] : memref<100000x128xf32, #tpu.memory_space<hbm>> -> memref<100000x128xf32, #tpu.memory_space<hbm>>
    tpu.enqueue_indirect_dma source(%dma_start3A_13 : memref<100000x128xf32, #tpu.memory_space<hbm>>) target(%arg7 : memref<256x128xf32, #tpu.memory_space<vmem>>) offsets(%dma_start3A_10 : memref<256xi32, #tpu.memory_space<vmem>>) semaphore(%arg10 : memref<!tpu.dma_semaphore, #tpu.memory_space<semaphore_mem>>)
    %dma_wait3A = arith.constant 0 : i32
    %dma_wait3A_14 = arith.constant 0 : i32
    %dma_wait3A_15 = tpu.memref_slice %arg5[%dma_wait3A, %dma_wait3A_14] : memref<1x6400xi32, #tpu.memory_space<vmem>> -> memref<1x256xi32, #tpu.memory_space<vmem>>
    %dma_wait3A_16 = tpu.memref_squeeze %dma_wait3A_15 : memref<1x256xi32, #tpu.memory_space<vmem>> -> memref<256xi32, #tpu.memory_space<vmem>>
    %dma_wait3A_17 = arith.constant 0 : i32
    %dma_wait3A_18 = arith.constant 0 : i32
    %dma_wait3A_19 = tpu.memref_slice %arg3[%dma_wait3A_17, %dma_wait3A_18] : memref<100000x128xf32, #tpu.memory_space<hbm>> -> memref<100000x128xf32, #tpu.memory_space<hbm>>
    tpu.wait_indirect_dma semaphore(%arg9 : memref<!tpu.dma_semaphore, #tpu.memory_space<semaphore_mem>>) src(%dma_wait3A_19 : memref<100000x128xf32, #tpu.memory_space<hbm>>) dst(%arg6 : memref<256x128xf32, #tpu.memory_space<vmem>>)
    %mul3A_20 = arith.constant 128 : i32
    %mul3A_21 = arith.muli %add3A, %mul3A_20 : i32
    %dma_start3A_22 = arith.constant 0 : i32
    %dma_start3A_23 = arith.constant 0 : i32
    %dma_start3A_24 = arith.constant 0 : i32
    %dma_start3A_25 = tpu.memref_slice %arg6[%dma_start3A_23, %dma_start3A_24] : memref<256x128xf32, #tpu.memory_space<vmem>> -> memref<128x128xf32, #tpu.memory_space<vmem>>
    %dma_start3A_26 = arith.constant 0 : i32
    %dma_start3A_27 = tpu.memref_slice %arg4[%dma_start3A_22, %mul3A_21, %dma_start3A_26] : memref<50x4096x128xf32, #tpu.memory_space<hbm>> -> memref<1x128x128xf32, #tpu.memory_space<hbm>>
    %dma_start3A_28 = tpu.memref_squeeze %dma_start3A_27 : memref<1x128x128xf32, #tpu.memory_space<hbm>> -> memref<128x128xf32, #tpu.memory_space<hbm>>
    %dma_start3A_29 = arith.constant 0 : i32
    %dma_start3A_30 = tpu.memref_slice %arg4[%dma_start3A_22, %mul3A_21, %dma_start3A_29] : memref<50x4096x128xf32, #tpu.memory_space<hbm>> -> memref<1x128x128xf32, #tpu.memory_space<hbm>>
    %dma_start3A_31 = tpu.memref_squeeze %dma_start3A_30 : memref<1x128x128xf32, #tpu.memory_space<hbm>> -> memref<128x128xf32, #tpu.memory_space<hbm>>
    %dma_start3A_32 = arith.constant 0 : i32
    %dma_start3A_33 = arith.constant 0 : i32
    %dma_start3A_34 = tpu.memref_slice %arg6[%dma_start3A_32, %dma_start3A_33] : memref<256x128xf32, #tpu.memory_space<vmem>> -> memref<128x128xf32, #tpu.memory_space<vmem>>
    tpu.enqueue_dma source(%dma_start3A_34 : memref<128x128xf32, #tpu.memory_space<vmem>>) target(%dma_start3A_31 : memref<128x128xf32, #tpu.memory_space<hbm>>) target_semaphore(%arg12 : memref<!tpu.dma_semaphore, #tpu.memory_space<semaphore_mem>>)
    %mul3A_35 = arith.constant 128 : i32
    %mul3A_36 = arith.muli %add3A, %mul3A_35 : i32
    %dma_start3A_37 = arith.constant 1 : i32
    %dma_start3A_38 = arith.constant 128 : i32
    %dma_start3A_39 = arith.constant 0 : i32
    %dma_start3A_40 = tpu.memref_slice %arg6[%dma_start3A_38, %dma_start3A_39] : memref<256x128xf32, #tpu.memory_space<vmem>> -> memref<128x128xf32, #tpu.memory_space<vmem>>
    %dma_start3A_41 = arith.constant 0 : i32
    %dma_start3A_42 = tpu.memref_slice %arg4[%dma_start3A_37, %mul3A_36, %dma_start3A_41] : memref<50x4096x128xf32, #tpu.memory_space<hbm>> -> memref<1x128x128xf32, #tpu.memory_space<hbm>>
    %dma_start3A_43 = tpu.memref_squeeze %dma_start3A_42 : memref<1x128x128xf32, #tpu.memory_space<hbm>> -> memref<128x128xf32, #tpu.memory_space<hbm>>
    %dma_start3A_44 = arith.constant 0 : i32
    %dma_start3A_45 = tpu.memref_slice %arg4[%dma_start3A_37, %mul3A_36, %dma_start3A_44] : memref<50x4096x128xf32, #tpu.memory_space<hbm>> -> memref<1x128x128xf32, #tpu.memory_space<hbm>>
    %dma_start3A_46 = tpu.memref_squeeze %dma_start3A_45 : memref<1x128x128xf32, #tpu.memory_space<hbm>> -> memref<128x128xf32, #tpu.memory_space<hbm>>
    %dma_start3A_47 = arith.constant 128 : i32
    %dma_start3A_48 = arith.constant 0 : i32
    %dma_start3A_49 = tpu.memref_slice %arg6[%dma_start3A_47, %dma_start3A_48] : memref<256x128xf32, #tpu.memory_space<vmem>> -> memref<128x128xf32, #tpu.memory_space<vmem>>
    tpu.enqueue_dma source(%dma_start3A_49 : memref<128x128xf32, #tpu.memory_space<vmem>>) target(%dma_start3A_46 : memref<128x128xf32, #tpu.memory_space<hbm>>) target_semaphore(%arg12 : memref<!tpu.dma_semaphore, #tpu.memory_space<semaphore_mem>>)
    %dma_start3A_50 = arith.constant 0 : i32
    %dma_start3A_51 = arith.constant 512 : i32
    %dma_start3A_52 = tpu.memref_slice %arg5[%dma_start3A_50, %dma_start3A_51] : memref<1x6400xi32, #tpu.memory_space<vmem>> -> memref<1x256xi32, #tpu.memory_space<vmem>>
    %dma_start3A_53 = tpu.memref_squeeze %dma_start3A_52 : memref<1x256xi32, #tpu.memory_space<vmem>> -> memref<256xi32, #tpu.memory_space<vmem>>
    %dma_start3A_54 = arith.constant 0 : i32
    %dma_start3A_55 = arith.constant 0 : i32
    %dma_start3A_56 = tpu.memref_slice %arg3[%dma_start3A_54, %dma_start3A_55] : memref<100000x128xf32, #tpu.memory_space<hbm>> -> memref<100000x128xf32, #tpu.memory_space<hbm>>
    tpu.enqueue_indirect_dma source(%dma_start3A_56 : memref<100000x128xf32, #tpu.memory_space<hbm>>) target(%arg8 : memref<256x128xf32, #tpu.memory_space<vmem>>) offsets(%dma_start3A_53 : memref<256xi32, #tpu.memory_space<vmem>>) semaphore(%arg11 : memref<!tpu.dma_semaphore, #tpu.memory_space<semaphore_mem>>)
    %scan3A = arith.constant 0 : i32
    %scan3A_57 = arith.constant 0 : i32
    %scan3A_58 = arith.constant 8 : i32
    %scan3A_59 = arith.addi %scan3A_57, %scan3A_58 : i32
    %scan3A_60 = arith.constant 1 : i32
    scf.for %scan3A_92 = %scan3A_57 to %scan3A_59 step %scan3A_60  : i32 {
      %mul3A_93 = arith.constant 3 : i32
      %mul3A_94 = arith.muli %scan3A_92, %mul3A_93 : i32
      %add3A_95 = arith.constant 1 : i32
      %add3A_96 = arith.addi %add3A_95, %mul3A_94 : i32
      %add3A_97 = arith.constant 0 : i32
      %add3A_98 = arith.addi %add3A_96, %add3A_97 : i32
      %mul3A_99 = arith.constant 2 : i32
      %mul3A_100 = arith.muli %add3A_98, %mul3A_99 : i32
      %mul3A_101 = arith.constant 128 : i32
      %mul3A_102 = arith.muli %mul3A_100, %mul3A_101 : i32
      %dma_wait3A_103 = arith.constant 0 : i32
      %dma_wait3A_104 = tpu.memref_slice %arg5[%dma_wait3A_103, %mul3A_102] : memref<1x6400xi32, #tpu.memory_space<vmem>> -> memref<1x256xi32, #tpu.memory_space<vmem>>
      %dma_wait3A_105 = tpu.memref_squeeze %dma_wait3A_104 : memref<1x256xi32, #tpu.memory_space<vmem>> -> memref<256xi32, #tpu.memory_space<vmem>>
      %dma_wait3A_106 = arith.constant 0 : i32
      %dma_wait3A_107 = arith.constant 0 : i32
      %dma_wait3A_108 = tpu.memref_slice %arg3[%dma_wait3A_106, %dma_wait3A_107] : memref<100000x128xf32, #tpu.memory_space<hbm>> -> memref<100000x128xf32, #tpu.memory_space<hbm>>
      tpu.wait_indirect_dma semaphore(%arg10 : memref<!tpu.dma_semaphore, #tpu.memory_space<semaphore_mem>>) src(%dma_wait3A_108 : memref<100000x128xf32, #tpu.memory_space<hbm>>) dst(%arg7 : memref<256x128xf32, #tpu.memory_space<vmem>>)
      %mul3A_109 = arith.constant 2 : i32
      %mul3A_110 = arith.muli %add3A_98, %mul3A_109 : i32
      %add3A_111 = arith.constant 0 : i32
      %add3A_112 = arith.addi %mul3A_110, %add3A_111 : i32
      %mul3A_113 = arith.constant 128 : i32
      %mul3A_114 = arith.muli %add3A, %mul3A_113 : i32
      %dma_start3A_115 = arith.constant 0 : i32
      %dma_start3A_116 = arith.constant 0 : i32
      %dma_start3A_117 = tpu.memref_slice %arg7[%dma_start3A_115, %dma_start3A_116] : memref<256x128xf32, #tpu.memory_space<vmem>> -> memref<128x128xf32, #tpu.memory_space<vmem>>
      %dma_start3A_118 = arith.constant 0 : i32
      %dma_start3A_119 = tpu.memref_slice %arg4[%add3A_112, %mul3A_114, %dma_start3A_118] : memref<50x4096x128xf32, #tpu.memory_space<hbm>> -> memref<1x128x128xf32, #tpu.memory_space<hbm>>
      %dma_start3A_120 = tpu.memref_squeeze %dma_start3A_119 : memref<1x128x128xf32, #tpu.memory_space<hbm>> -> memref<128x128xf32, #tpu.memory_space<hbm>>
      %dma_start3A_121 = arith.constant 0 : i32
      %dma_start3A_122 = tpu.memref_slice %arg4[%add3A_112, %mul3A_114, %dma_start3A_121] : memref<50x4096x128xf32, #tpu.memory_space<hbm>> -> memref<1x128x128xf32, #tpu.memory_space<hbm>>
      %dma_start3A_123 = tpu.memref_squeeze %dma_start3A_122 : memref<1x128x128xf32, #tpu.memory_space<hbm>> -> memref<128x128xf32, #tpu.memory_space<hbm>>
      %dma_start3A_124 = arith.constant 0 : i32
      %dma_start3A_125 = arith.constant 0 : i32
      %dma_start3A_126 = tpu.memref_slice %arg7[%dma_start3A_124, %dma_start3A_125] : memref<256x128xf32, #tpu.memory_space<vmem>> -> memref<128x128xf32, #tpu.memory_space<vmem>>
      tpu.enqueue_dma source(%dma_start3A_126 : memref<128x128xf32, #tpu.memory_space<vmem>>) target(%dma_start3A_123 : memref<128x128xf32, #tpu.memory_space<hbm>>) target_semaphore(%arg13 : memref<!tpu.dma_semaphore, #tpu.memory_space<semaphore_mem>>)
      %mul3A_127 = arith.constant 2 : i32
      %mul3A_128 = arith.muli %add3A_98, %mul3A_127 : i32
      %add3A_129 = arith.constant 1 : i32
      %add3A_130 = arith.addi %mul3A_128, %add3A_129 : i32
      %mul3A_131 = arith.constant 128 : i32
      %mul3A_132 = arith.muli %add3A, %mul3A_131 : i32
      %dma_start3A_133 = arith.constant 128 : i32
      %dma_start3A_134 = arith.constant 0 : i32
      %dma_start3A_135 = tpu.memref_slice %arg7[%dma_start3A_133, %dma_start3A_134] : memref<256x128xf32, #tpu.memory_space<vmem>> -> memref<128x128xf32, #tpu.memory_space<vmem>>
      %dma_start3A_136 = arith.constant 0 : i32
      %dma_start3A_137 = tpu.memref_slice %arg4[%add3A_130, %mul3A_132, %dma_start3A_136] : memref<50x4096x128xf32, #tpu.memory_space<hbm>> -> memref<1x128x128xf32, #tpu.memory_space<hbm>>
      %dma_start3A_138 = tpu.memref_squeeze %dma_start3A_137 : memref<1x128x128xf32, #tpu.memory_space<hbm>> -> memref<128x128xf32, #tpu.memory_space<hbm>>
      %dma_start3A_139 = arith.constant 0 : i32
      %dma_start3A_140 = tpu.memref_slice %arg4[%add3A_130, %mul3A_132, %dma_start3A_139] : memref<50x4096x128xf32, #tpu.memory_space<hbm>> -> memref<1x128x128xf32, #tpu.memory_space<hbm>>
      %dma_start3A_141 = tpu.memref_squeeze %dma_start3A_140 : memref<1x128x128xf32, #tpu.memory_space<hbm>> -> memref<128x128xf32, #tpu.memory_space<hbm>>
      %dma_start3A_142 = arith.constant 128 : i32
      %dma_start3A_143 = arith.constant 0 : i32
      %dma_start3A_144 = tpu.memref_slice %arg7[%dma_start3A_142, %dma_start3A_143] : memref<256x128xf32, #tpu.memory_space<vmem>> -> memref<128x128xf32, #tpu.memory_space<vmem>>
      tpu.enqueue_dma source(%dma_start3A_144 : memref<128x128xf32, #tpu.memory_space<vmem>>) target(%dma_start3A_141 : memref<128x128xf32, #tpu.memory_space<hbm>>) target_semaphore(%arg13 : memref<!tpu.dma_semaphore, #tpu.memory_space<semaphore_mem>>)
      %sub3A = arith.constant 1 : i32
      %sub3A_145 = arith.subi %add3A_98, %sub3A : i32
      %mul3A_146 = arith.constant 2 : i32
      %mul3A_147 = arith.muli %sub3A_145, %mul3A_146 : i32
      %add3A_148 = arith.constant 0 : i32
      %add3A_149 = arith.addi %mul3A_147, %add3A_148 : i32
      %mul3A_150 = arith.constant 128 : i32
      %mul3A_151 = arith.muli %add3A, %mul3A_150 : i32
      %dma_wait3A_152 = arith.constant 0 : i32
      %dma_wait3A_153 = arith.constant 0 : i32
      %dma_wait3A_154 = tpu.memref_slice %arg6[%dma_wait3A_152, %dma_wait3A_153] : memref<256x128xf32, #tpu.memory_space<vmem>> -> memref<128x128xf32, #tpu.memory_space<vmem>>
      %dma_wait3A_155 = arith.constant 0 : i32
      %dma_wait3A_156 = tpu.memref_slice %arg4[%add3A_149, %mul3A_151, %dma_wait3A_155] : memref<50x4096x128xf32, #tpu.memory_space<hbm>> -> memref<1x128x128xf32, #tpu.memory_space<hbm>>
      %dma_wait3A_157 = tpu.memref_squeeze %dma_wait3A_156 : memref<1x128x128xf32, #tpu.memory_space<hbm>> -> memref<128x128xf32, #tpu.memory_space<hbm>>
      %dma_wait3A_158 = arith.constant 0 : i32
      %dma_wait3A_159 = tpu.memref_slice %arg4[%add3A_149, %mul3A_151, %dma_wait3A_158] : memref<50x4096x128xf32, #tpu.memory_space<hbm>> -> memref<1x128x128xf32, #tpu.memory_space<hbm>>
      %dma_wait3A_160 = tpu.memref_squeeze %dma_wait3A_159 : memref<1x128x128xf32, #tpu.memory_space<hbm>> -> memref<128x128xf32, #tpu.memory_space<hbm>>
      %dma_wait3A_161 = arith.constant 0 : i32
      %dma_wait3A_162 = arith.constant 0 : i32
      %dma_wait3A_163 = tpu.memref_slice %arg6[%dma_wait3A_161, %dma_wait3A_162] : memref<256x128xf32, #tpu.memory_space<vmem>> -> memref<128x128xf32, #tpu.memory_space<vmem>>
      tpu.wait_dma2 semaphore(%arg12 : memref<!tpu.dma_semaphore, #tpu.memory_space<semaphore_mem>>) src(%dma_wait3A_163 : memref<128x128xf32, #tpu.memory_space<vmem>>) dst(%dma_wait3A_160 : memref<128x128xf32, #tpu.memory_space<hbm>>)
      %mul3A_164 = arith.constant 2 : i32
      %mul3A_165 = arith.muli %sub3A_145, %mul3A_164 : i32
      %add3A_166 = arith.constant 1 : i32
      %add3A_167 = arith.addi %mul3A_165, %add3A_166 : i32
      %mul3A_168 = arith.constant 128 : i32
      %mul3A_169 = arith.muli %add3A, %mul3A_168 : i32
      %dma_wait3A_170 = arith.constant 128 : i32
      %dma_wait3A_171 = arith.constant 0 : i32
      %dma_wait3A_172 = tpu.memref_slice %arg6[%dma_wait3A_170, %dma_wait3A_171] : memref<256x128xf32, #tpu.memory_space<vmem>> -> memref<128x128xf32, #tpu.memory_space<vmem>>
      %dma_wait3A_173 = arith.constant 0 : i32
      %dma_wait3A_174 = tpu.memref_slice %arg4[%add3A_167, %mul3A_169, %dma_wait3A_173] : memref<50x4096x128xf32, #tpu.memory_space<hbm>> -> memref<1x128x128xf32, #tpu.memory_space<hbm>>
      %dma_wait3A_175 = tpu.memref_squeeze %dma_wait3A_174 : memref<1x128x128xf32, #tpu.memory_space<hbm>> -> memref<128x128xf32, #tpu.memory_space<hbm>>
      %dma_wait3A_176 = arith.constant 0 : i32
      %dma_wait3A_177 = tpu.memref_slice %arg4[%add3A_167, %mul3A_169, %dma_wait3A_176] : memref<50x4096x128xf32, #tpu.memory_space<hbm>> -> memref<1x128x128xf32, #tpu.memory_space<hbm>>
      %dma_wait3A_178 = tpu.memref_squeeze %dma_wait3A_177 : memref<1x128x128xf32, #tpu.memory_space<hbm>> -> memref<128x128xf32, #tpu.memory_space<hbm>>
      %dma_wait3A_179 = arith.constant 128 : i32
      %dma_wait3A_180 = arith.constant 0 : i32
      %dma_wait3A_181 = tpu.memref_slice %arg6[%dma_wait3A_179, %dma_wait3A_180] : memref<256x128xf32, #tpu.memory_space<vmem>> -> memref<128x128xf32, #tpu.memory_space<vmem>>
      tpu.wait_dma2 semaphore(%arg12 : memref<!tpu.dma_semaphore, #tpu.memory_space<semaphore_mem>>) src(%dma_wait3A_181 : memref<128x128xf32, #tpu.memory_space<vmem>>) dst(%dma_wait3A_178 : memref<128x128xf32, #tpu.memory_space<hbm>>)
      %add3A_182 = arith.constant 2 : i32
      %add3A_183 = arith.addi %add3A_98, %add3A_182 : i32
      %lt3A = arith.constant 25 : i32
      %lt3A_184 = arith.cmpi slt, %add3A_183, %lt3A : i32
      %convert_element_type3A = arith.extui %lt3A_184 : i1 to i32
      %cond3A = arith.constant 0 : i32
      %cond3A_185 = arith.cmpi ne, %convert_element_type3A, %cond3A : i32
      scf.if %cond3A_185 {
        %add3A_380 = arith.constant 2 : i32
        %add3A_381 = arith.addi %add3A_98, %add3A_380 : i32
        %mul3A_382 = arith.constant 2 : i32
        %mul3A_383 = arith.muli %add3A_381, %mul3A_382 : i32
        %mul3A_384 = arith.constant 128 : i32
        %mul3A_385 = arith.muli %mul3A_383, %mul3A_384 : i32
        %dma_start3A_386 = arith.constant 0 : i32
        %dma_start3A_387 = tpu.memref_slice %arg5[%dma_start3A_386, %mul3A_385] : memref<1x6400xi32, #tpu.memory_space<vmem>> -> memref<1x256xi32, #tpu.memory_space<vmem>>
        %dma_start3A_388 = tpu.memref_squeeze %dma_start3A_387 : memref<1x256xi32, #tpu.memory_space<vmem>> -> memref<256xi32, #tpu.memory_space<vmem>>
        %dma_start3A_389 = arith.constant 0 : i32
        %dma_start3A_390 = arith.constant 0 : i32
        %dma_start3A_391 = tpu.memref_slice %arg3[%dma_start3A_389, %dma_start3A_390] : memref<100000x128xf32, #tpu.memory_space<hbm>> -> memref<100000x128xf32, #tpu.memory_space<hbm>>
        tpu.enqueue_indirect_dma source(%dma_start3A_391 : memref<100000x128xf32, #tpu.memory_space<hbm>>) target(%arg6 : memref<256x128xf32, #tpu.memory_space<vmem>>) offsets(%dma_start3A_388 : memref<256xi32, #tpu.memory_space<vmem>>) semaphore(%arg9 : memref<!tpu.dma_semaphore, #tpu.memory_space<semaphore_mem>>)
      } else {
      }
      %mul3A_186 = arith.constant 3 : i32
      %mul3A_187 = arith.muli %scan3A_92, %mul3A_186 : i32
      %add3A_188 = arith.constant 1 : i32
      %add3A_189 = arith.addi %add3A_188, %mul3A_187 : i32
      %add3A_190 = arith.constant 1 : i32
      %add3A_191 = arith.addi %add3A_189, %add3A_190 : i32
      %mul3A_192 = arith.constant 2 : i32
      %mul3A_193 = arith.muli %add3A_191, %mul3A_192 : i32
      %mul3A_194 = arith.constant 128 : i32
      %mul3A_195 = arith.muli %mul3A_193, %mul3A_194 : i32
      %dma_wait3A_196 = arith.constant 0 : i32
      %dma_wait3A_197 = tpu.memref_slice %arg5[%dma_wait3A_196, %mul3A_195] : memref<1x6400xi32, #tpu.memory_space<vmem>> -> memref<1x256xi32, #tpu.memory_space<vmem>>
      %dma_wait3A_198 = tpu.memref_squeeze %dma_wait3A_197 : memref<1x256xi32, #tpu.memory_space<vmem>> -> memref<256xi32, #tpu.memory_space<vmem>>
      %dma_wait3A_199 = arith.constant 0 : i32
      %dma_wait3A_200 = arith.constant 0 : i32
      %dma_wait3A_201 = tpu.memref_slice %arg3[%dma_wait3A_199, %dma_wait3A_200] : memref<100000x128xf32, #tpu.memory_space<hbm>> -> memref<100000x128xf32, #tpu.memory_space<hbm>>
      tpu.wait_indirect_dma semaphore(%arg11 : memref<!tpu.dma_semaphore, #tpu.memory_space<semaphore_mem>>) src(%dma_wait3A_201 : memref<100000x128xf32, #tpu.memory_space<hbm>>) dst(%arg8 : memref<256x128xf32, #tpu.memory_space<vmem>>)
      %mul3A_202 = arith.constant 2 : i32
      %mul3A_203 = arith.muli %add3A_191, %mul3A_202 : i32
      %add3A_204 = arith.constant 0 : i32
      %add3A_205 = arith.addi %mul3A_203, %add3A_204 : i32
      %mul3A_206 = arith.constant 128 : i32
      %mul3A_207 = arith.muli %add3A, %mul3A_206 : i32
      %dma_start3A_208 = arith.constant 0 : i32
      %dma_start3A_209 = arith.constant 0 : i32
      %dma_start3A_210 = tpu.memref_slice %arg8[%dma_start3A_208, %dma_start3A_209] : memref<256x128xf32, #tpu.memory_space<vmem>> -> memref<128x128xf32, #tpu.memory_space<vmem>>
      %dma_start3A_211 = arith.constant 0 : i32
      %dma_start3A_212 = tpu.memref_slice %arg4[%add3A_205, %mul3A_207, %dma_start3A_211] : memref<50x4096x128xf32, #tpu.memory_space<hbm>> -> memref<1x128x128xf32, #tpu.memory_space<hbm>>
      %dma_start3A_213 = tpu.memref_squeeze %dma_start3A_212 : memref<1x128x128xf32, #tpu.memory_space<hbm>> -> memref<128x128xf32, #tpu.memory_space<hbm>>
      %dma_start3A_214 = arith.constant 0 : i32
      %dma_start3A_215 = tpu.memref_slice %arg4[%add3A_205, %mul3A_207, %dma_start3A_214] : memref<50x4096x128xf32, #tpu.memory_space<hbm>> -> memref<1x128x128xf32, #tpu.memory_space<hbm>>
      %dma_start3A_216 = tpu.memref_squeeze %dma_start3A_215 : memref<1x128x128xf32, #tpu.memory_space<hbm>> -> memref<128x128xf32, #tpu.memory_space<hbm>>
      %dma_start3A_217 = arith.constant 0 : i32
      %dma_start3A_218 = arith.constant 0 : i32
      %dma_start3A_219 = tpu.memref_slice %arg8[%dma_start3A_217, %dma_start3A_218] : memref<256x128xf32, #tpu.memory_space<vmem>> -> memref<128x128xf32, #tpu.memory_space<vmem>>
      tpu.enqueue_dma source(%dma_start3A_219 : memref<128x128xf32, #tpu.memory_space<vmem>>) target(%dma_start3A_216 : memref<128x128xf32, #tpu.memory_space<hbm>>) target_semaphore(%arg14 : memref<!tpu.dma_semaphore, #tpu.memory_space<semaphore_mem>>)
      %mul3A_220 = arith.constant 2 : i32
      %mul3A_221 = arith.muli %add3A_191, %mul3A_220 : i32
      %add3A_222 = arith.constant 1 : i32
      %add3A_223 = arith.addi %mul3A_221, %add3A_222 : i32
      %mul3A_224 = arith.constant 128 : i32
      %mul3A_225 = arith.muli %add3A, %mul3A_224 : i32
      %dma_start3A_226 = arith.constant 128 : i32
      %dma_start3A_227 = arith.constant 0 : i32
      %dma_start3A_228 = tpu.memref_slice %arg8[%dma_start3A_226, %dma_start3A_227] : memref<256x128xf32, #tpu.memory_space<vmem>> -> memref<128x128xf32, #tpu.memory_space<vmem>>
      %dma_start3A_229 = arith.constant 0 : i32
      %dma_start3A_230 = tpu.memref_slice %arg4[%add3A_223, %mul3A_225, %dma_start3A_229] : memref<50x4096x128xf32, #tpu.memory_space<hbm>> -> memref<1x128x128xf32, #tpu.memory_space<hbm>>
      %dma_start3A_231 = tpu.memref_squeeze %dma_start3A_230 : memref<1x128x128xf32, #tpu.memory_space<hbm>> -> memref<128x128xf32, #tpu.memory_space<hbm>>
      %dma_start3A_232 = arith.constant 0 : i32
      %dma_start3A_233 = tpu.memref_slice %arg4[%add3A_223, %mul3A_225, %dma_start3A_232] : memref<50x4096x128xf32, #tpu.memory_space<hbm>> -> memref<1x128x128xf32, #tpu.memory_space<hbm>>
      %dma_start3A_234 = tpu.memref_squeeze %dma_start3A_233 : memref<1x128x128xf32, #tpu.memory_space<hbm>> -> memref<128x128xf32, #tpu.memory_space<hbm>>
      %dma_start3A_235 = arith.constant 128 : i32
      %dma_start3A_236 = arith.constant 0 : i32
      %dma_start3A_237 = tpu.memref_slice %arg8[%dma_start3A_235, %dma_start3A_236] : memref<256x128xf32, #tpu.memory_space<vmem>> -> memref<128x128xf32, #tpu.memory_space<vmem>>
      tpu.enqueue_dma source(%dma_start3A_237 : memref<128x128xf32, #tpu.memory_space<vmem>>) target(%dma_start3A_234 : memref<128x128xf32, #tpu.memory_space<hbm>>) target_semaphore(%arg14 : memref<!tpu.dma_semaphore, #tpu.memory_space<semaphore_mem>>)
      %sub3A_238 = arith.constant 1 : i32
      %sub3A_239 = arith.subi %add3A_191, %sub3A_238 : i32
      %mul3A_240 = arith.constant 2 : i32
      %mul3A_241 = arith.muli %sub3A_239, %mul3A_240 : i32
      %add3A_242 = arith.constant 0 : i32
      %add3A_243 = arith.addi %mul3A_241, %add3A_242 : i32
      %mul3A_244 = arith.constant 128 : i32
      %mul3A_245 = arith.muli %add3A, %mul3A_244 : i32
      %dma_wait3A_246 = arith.constant 0 : i32
      %dma_wait3A_247 = arith.constant 0 : i32
      %dma_wait3A_248 = tpu.memref_slice %arg7[%dma_wait3A_246, %dma_wait3A_247] : memref<256x128xf32, #tpu.memory_space<vmem>> -> memref<128x128xf32, #tpu.memory_space<vmem>>
      %dma_wait3A_249 = arith.constant 0 : i32
      %dma_wait3A_250 = tpu.memref_slice %arg4[%add3A_243, %mul3A_245, %dma_wait3A_249] : memref<50x4096x128xf32, #tpu.memory_space<hbm>> -> memref<1x128x128xf32, #tpu.memory_space<hbm>>
      %dma_wait3A_251 = tpu.memref_squeeze %dma_wait3A_250 : memref<1x128x128xf32, #tpu.memory_space<hbm>> -> memref<128x128xf32, #tpu.memory_space<hbm>>
      %dma_wait3A_252 = arith.constant 0 : i32
      %dma_wait3A_253 = tpu.memref_slice %arg4[%add3A_243, %mul3A_245, %dma_wait3A_252] : memref<50x4096x128xf32, #tpu.memory_space<hbm>> -> memref<1x128x128xf32, #tpu.memory_space<hbm>>
      %dma_wait3A_254 = tpu.memref_squeeze %dma_wait3A_253 : memref<1x128x128xf32, #tpu.memory_space<hbm>> -> memref<128x128xf32, #tpu.memory_space<hbm>>
      %dma_wait3A_255 = arith.constant 0 : i32
      %dma_wait3A_256 = arith.constant 0 : i32
      %dma_wait3A_257 = tpu.memref_slice %arg7[%dma_wait3A_255, %dma_wait3A_256] : memref<256x128xf32, #tpu.memory_space<vmem>> -> memref<128x128xf32, #tpu.memory_space<vmem>>
      tpu.wait_dma2 semaphore(%arg13 : memref<!tpu.dma_semaphore, #tpu.memory_space<semaphore_mem>>) src(%dma_wait3A_257 : memref<128x128xf32, #tpu.memory_space<vmem>>) dst(%dma_wait3A_254 : memref<128x128xf32, #tpu.memory_space<hbm>>)
      %mul3A_258 = arith.constant 2 : i32
      %mul3A_259 = arith.muli %sub3A_239, %mul3A_258 : i32
      %add3A_260 = arith.constant 1 : i32
      %add3A_261 = arith.addi %mul3A_259, %add3A_260 : i32
      %mul3A_262 = arith.constant 128 : i32
      %mul3A_263 = arith.muli %add3A, %mul3A_262 : i32
      %dma_wait3A_264 = arith.constant 128 : i32
      %dma_wait3A_265 = arith.constant 0 : i32
      %dma_wait3A_266 = tpu.memref_slice %arg7[%dma_wait3A_264, %dma_wait3A_265] : memref<256x128xf32, #tpu.memory_space<vmem>> -> memref<128x128xf32, #tpu.memory_space<vmem>>
      %dma_wait3A_267 = arith.constant 0 : i32
      %dma_wait3A_268 = tpu.memref_slice %arg4[%add3A_261, %mul3A_263, %dma_wait3A_267] : memref<50x4096x128xf32, #tpu.memory_space<hbm>> -> memref<1x128x128xf32, #tpu.memory_space<hbm>>
      %dma_wait3A_269 = tpu.memref_squeeze %dma_wait3A_268 : memref<1x128x128xf32, #tpu.memory_space<hbm>> -> memref<128x128xf32, #tpu.memory_space<hbm>>
      %dma_wait3A_270 = arith.constant 0 : i32
      %dma_wait3A_271 = tpu.memref_slice %arg4[%add3A_261, %mul3A_263, %dma_wait3A_270] : memref<50x4096x128xf32, #tpu.memory_space<hbm>> -> memref<1x128x128xf32, #tpu.memory_space<hbm>>
      %dma_wait3A_272 = tpu.memref_squeeze %dma_wait3A_271 : memref<1x128x128xf32, #tpu.memory_space<hbm>> -> memref<128x128xf32, #tpu.memory_space<hbm>>
      %dma_wait3A_273 = arith.constant 128 : i32
      %dma_wait3A_274 = arith.constant 0 : i32
      %dma_wait3A_275 = tpu.memref_slice %arg7[%dma_wait3A_273, %dma_wait3A_274] : memref<256x128xf32, #tpu.memory_space<vmem>> -> memref<128x128xf32, #tpu.memory_space<vmem>>
      tpu.wait_dma2 semaphore(%arg13 : memref<!tpu.dma_semaphore, #tpu.memory_space<semaphore_mem>>) src(%dma_wait3A_275 : memref<128x128xf32, #tpu.memory_space<vmem>>) dst(%dma_wait3A_272 : memref<128x128xf32, #tpu.memory_space<hbm>>)
      %add3A_276 = arith.constant 2 : i32
      %add3A_277 = arith.addi %add3A_191, %add3A_276 : i32
      %lt3A_278 = arith.constant 25 : i32
      %lt3A_279 = arith.cmpi slt, %add3A_277, %lt3A_278 : i32
      %convert_element_type3A_280 = arith.extui %lt3A_279 : i1 to i32
      %cond3A_281 = arith.constant 0 : i32
      %cond3A_282 = arith.cmpi ne, %convert_element_type3A_280, %cond3A_281 : i32
      scf.if %cond3A_282 {
        %add3A_380 = arith.constant 2 : i32
        %add3A_381 = arith.addi %add3A_191, %add3A_380 : i32
        %mul3A_382 = arith.constant 2 : i32
        %mul3A_383 = arith.muli %add3A_381, %mul3A_382 : i32
        %mul3A_384 = arith.constant 128 : i32
        %mul3A_385 = arith.muli %mul3A_383, %mul3A_384 : i32
        %dma_start3A_386 = arith.constant 0 : i32
        %dma_start3A_387 = tpu.memref_slice %arg5[%dma_start3A_386, %mul3A_385] : memref<1x6400xi32, #tpu.memory_space<vmem>> -> memref<1x256xi32, #tpu.memory_space<vmem>>
        %dma_start3A_388 = tpu.memref_squeeze %dma_start3A_387 : memref<1x256xi32, #tpu.memory_space<vmem>> -> memref<256xi32, #tpu.memory_space<vmem>>
        %dma_start3A_389 = arith.constant 0 : i32
        %dma_start3A_390 = arith.constant 0 : i32
        %dma_start3A_391 = tpu.memref_slice %arg3[%dma_start3A_389, %dma_start3A_390] : memref<100000x128xf32, #tpu.memory_space<hbm>> -> memref<100000x128xf32, #tpu.memory_space<hbm>>
        tpu.enqueue_indirect_dma source(%dma_start3A_391 : memref<100000x128xf32, #tpu.memory_space<hbm>>) target(%arg7 : memref<256x128xf32, #tpu.memory_space<vmem>>) offsets(%dma_start3A_388 : memref<256xi32, #tpu.memory_space<vmem>>) semaphore(%arg10 : memref<!tpu.dma_semaphore, #tpu.memory_space<semaphore_mem>>)
      } else {
      }
      %mul3A_283 = arith.constant 3 : i32
      %mul3A_284 = arith.muli %scan3A_92, %mul3A_283 : i32
      %add3A_285 = arith.constant 1 : i32
      %add3A_286 = arith.addi %add3A_285, %mul3A_284 : i32
      %add3A_287 = arith.constant 2 : i32
      %add3A_288 = arith.addi %add3A_286, %add3A_287 : i32
      %mul3A_289 = arith.constant 2 : i32
      %mul3A_290 = arith.muli %add3A_288, %mul3A_289 : i32
      %mul3A_291 = arith.constant 128 : i32
      %mul3A_292 = arith.muli %mul3A_290, %mul3A_291 : i32
      %dma_wait3A_293 = arith.constant 0 : i32
      %dma_wait3A_294 = tpu.memref_slice %arg5[%dma_wait3A_293, %mul3A_292] : memref<1x6400xi32, #tpu.memory_space<vmem>> -> memref<1x256xi32, #tpu.memory_space<vmem>>
      %dma_wait3A_295 = tpu.memref_squeeze %dma_wait3A_294 : memref<1x256xi32, #tpu.memory_space<vmem>> -> memref<256xi32, #tpu.memory_space<vmem>>
      %dma_wait3A_296 = arith.constant 0 : i32
      %dma_wait3A_297 = arith.constant 0 : i32
      %dma_wait3A_298 = tpu.memref_slice %arg3[%dma_wait3A_296, %dma_wait3A_297] : memref<100000x128xf32, #tpu.memory_space<hbm>> -> memref<100000x128xf32, #tpu.memory_space<hbm>>
      tpu.wait_indirect_dma semaphore(%arg9 : memref<!tpu.dma_semaphore, #tpu.memory_space<semaphore_mem>>) src(%dma_wait3A_298 : memref<100000x128xf32, #tpu.memory_space<hbm>>) dst(%arg6 : memref<256x128xf32, #tpu.memory_space<vmem>>)
      %mul3A_299 = arith.constant 2 : i32
      %mul3A_300 = arith.muli %add3A_288, %mul3A_299 : i32
      %add3A_301 = arith.constant 0 : i32
      %add3A_302 = arith.addi %mul3A_300, %add3A_301 : i32
      %mul3A_303 = arith.constant 128 : i32
      %mul3A_304 = arith.muli %add3A, %mul3A_303 : i32
      %dma_start3A_305 = arith.constant 0 : i32
      %dma_start3A_306 = arith.constant 0 : i32
      %dma_start3A_307 = tpu.memref_slice %arg6[%dma_start3A_305, %dma_start3A_306] : memref<256x128xf32, #tpu.memory_space<vmem>> -> memref<128x128xf32, #tpu.memory_space<vmem>>
      %dma_start3A_308 = arith.constant 0 : i32
      %dma_start3A_309 = tpu.memref_slice %arg4[%add3A_302, %mul3A_304, %dma_start3A_308] : memref<50x4096x128xf32, #tpu.memory_space<hbm>> -> memref<1x128x128xf32, #tpu.memory_space<hbm>>
      %dma_start3A_310 = tpu.memref_squeeze %dma_start3A_309 : memref<1x128x128xf32, #tpu.memory_space<hbm>> -> memref<128x128xf32, #tpu.memory_space<hbm>>
      %dma_start3A_311 = arith.constant 0 : i32
      %dma_start3A_312 = tpu.memref_slice %arg4[%add3A_302, %mul3A_304, %dma_start3A_311] : memref<50x4096x128xf32, #tpu.memory_space<hbm>> -> memref<1x128x128xf32, #tpu.memory_space<hbm>>
      %dma_start3A_313 = tpu.memref_squeeze %dma_start3A_312 : memref<1x128x128xf32, #tpu.memory_space<hbm>> -> memref<128x128xf32, #tpu.memory_space<hbm>>
      %dma_start3A_314 = arith.constant 0 : i32
      %dma_start3A_315 = arith.constant 0 : i32
      %dma_start3A_316 = tpu.memref_slice %arg6[%dma_start3A_314, %dma_start3A_315] : memref<256x128xf32, #tpu.memory_space<vmem>> -> memref<128x128xf32, #tpu.memory_space<vmem>>
      tpu.enqueue_dma source(%dma_start3A_316 : memref<128x128xf32, #tpu.memory_space<vmem>>) target(%dma_start3A_313 : memref<128x128xf32, #tpu.memory_space<hbm>>) target_semaphore(%arg12 : memref<!tpu.dma_semaphore, #tpu.memory_space<semaphore_mem>>)
      %mul3A_317 = arith.constant 2 : i32
      %mul3A_318 = arith.muli %add3A_288, %mul3A_317 : i32
      %add3A_319 = arith.constant 1 : i32
      %add3A_320 = arith.addi %mul3A_318, %add3A_319 : i32
      %mul3A_321 = arith.constant 128 : i32
      %mul3A_322 = arith.muli %add3A, %mul3A_321 : i32
      %dma_start3A_323 = arith.constant 128 : i32
      %dma_start3A_324 = arith.constant 0 : i32
      %dma_start3A_325 = tpu.memref_slice %arg6[%dma_start3A_323, %dma_start3A_324] : memref<256x128xf32, #tpu.memory_space<vmem>> -> memref<128x128xf32, #tpu.memory_space<vmem>>
      %dma_start3A_326 = arith.constant 0 : i32
      %dma_start3A_327 = tpu.memref_slice %arg4[%add3A_320, %mul3A_322, %dma_start3A_326] : memref<50x4096x128xf32, #tpu.memory_space<hbm>> -> memref<1x128x128xf32, #tpu.memory_space<hbm>>
      %dma_start3A_328 = tpu.memref_squeeze %dma_start3A_327 : memref<1x128x128xf32, #tpu.memory_space<hbm>> -> memref<128x128xf32, #tpu.memory_space<hbm>>
      %dma_start3A_329 = arith.constant 0 : i32
      %dma_start3A_330 = tpu.memref_slice %arg4[%add3A_320, %mul3A_322, %dma_start3A_329] : memref<50x4096x128xf32, #tpu.memory_space<hbm>> -> memref<1x128x128xf32, #tpu.memory_space<hbm>>
      %dma_start3A_331 = tpu.memref_squeeze %dma_start3A_330 : memref<1x128x128xf32, #tpu.memory_space<hbm>> -> memref<128x128xf32, #tpu.memory_space<hbm>>
      %dma_start3A_332 = arith.constant 128 : i32
      %dma_start3A_333 = arith.constant 0 : i32
      %dma_start3A_334 = tpu.memref_slice %arg6[%dma_start3A_332, %dma_start3A_333] : memref<256x128xf32, #tpu.memory_space<vmem>> -> memref<128x128xf32, #tpu.memory_space<vmem>>
      tpu.enqueue_dma source(%dma_start3A_334 : memref<128x128xf32, #tpu.memory_space<vmem>>) target(%dma_start3A_331 : memref<128x128xf32, #tpu.memory_space<hbm>>) target_semaphore(%arg12 : memref<!tpu.dma_semaphore, #tpu.memory_space<semaphore_mem>>)
      %sub3A_335 = arith.constant 1 : i32
      %sub3A_336 = arith.subi %add3A_288, %sub3A_335 : i32
      %mul3A_337 = arith.constant 2 : i32
      %mul3A_338 = arith.muli %sub3A_336, %mul3A_337 : i32
      %add3A_339 = arith.constant 0 : i32
      %add3A_340 = arith.addi %mul3A_338, %add3A_339 : i32
      %mul3A_341 = arith.constant 128 : i32
      %mul3A_342 = arith.muli %add3A, %mul3A_341 : i32
      %dma_wait3A_343 = arith.constant 0 : i32
      %dma_wait3A_344 = arith.constant 0 : i32
      %dma_wait3A_345 = tpu.memref_slice %arg8[%dma_wait3A_343, %dma_wait3A_344] : memref<256x128xf32, #tpu.memory_space<vmem>> -> memref<128x128xf32, #tpu.memory_space<vmem>>
      %dma_wait3A_346 = arith.constant 0 : i32
      %dma_wait3A_347 = tpu.memref_slice %arg4[%add3A_340, %mul3A_342, %dma_wait3A_346] : memref<50x4096x128xf32, #tpu.memory_space<hbm>> -> memref<1x128x128xf32, #tpu.memory_space<hbm>>
      %dma_wait3A_348 = tpu.memref_squeeze %dma_wait3A_347 : memref<1x128x128xf32, #tpu.memory_space<hbm>> -> memref<128x128xf32, #tpu.memory_space<hbm>>
      %dma_wait3A_349 = arith.constant 0 : i32
      %dma_wait3A_350 = tpu.memref_slice %arg4[%add3A_340, %mul3A_342, %dma_wait3A_349] : memref<50x4096x128xf32, #tpu.memory_space<hbm>> -> memref<1x128x128xf32, #tpu.memory_space<hbm>>
      %dma_wait3A_351 = tpu.memref_squeeze %dma_wait3A_350 : memref<1x128x128xf32, #tpu.memory_space<hbm>> -> memref<128x128xf32, #tpu.memory_space<hbm>>
      %dma_wait3A_352 = arith.constant 0 : i32
      %dma_wait3A_353 = arith.constant 0 : i32
      %dma_wait3A_354 = tpu.memref_slice %arg8[%dma_wait3A_352, %dma_wait3A_353] : memref<256x128xf32, #tpu.memory_space<vmem>> -> memref<128x128xf32, #tpu.memory_space<vmem>>
      tpu.wait_dma2 semaphore(%arg14 : memref<!tpu.dma_semaphore, #tpu.memory_space<semaphore_mem>>) src(%dma_wait3A_354 : memref<128x128xf32, #tpu.memory_space<vmem>>) dst(%dma_wait3A_351 : memref<128x128xf32, #tpu.memory_space<hbm>>)
      %mul3A_355 = arith.constant 2 : i32
      %mul3A_356 = arith.muli %sub3A_336, %mul3A_355 : i32
      %add3A_357 = arith.constant 1 : i32
      %add3A_358 = arith.addi %mul3A_356, %add3A_357 : i32
      %mul3A_359 = arith.constant 128 : i32
      %mul3A_360 = arith.muli %add3A, %mul3A_359 : i32
      %dma_wait3A_361 = arith.constant 128 : i32
      %dma_wait3A_362 = arith.constant 0 : i32
      %dma_wait3A_363 = tpu.memref_slice %arg8[%dma_wait3A_361, %dma_wait3A_362] : memref<256x128xf32, #tpu.memory_space<vmem>> -> memref<128x128xf32, #tpu.memory_space<vmem>>
      %dma_wait3A_364 = arith.constant 0 : i32
      %dma_wait3A_365 = tpu.memref_slice %arg4[%add3A_358, %mul3A_360, %dma_wait3A_364] : memref<50x4096x128xf32, #tpu.memory_space<hbm>> -> memref<1x128x128xf32, #tpu.memory_space<hbm>>
      %dma_wait3A_366 = tpu.memref_squeeze %dma_wait3A_365 : memref<1x128x128xf32, #tpu.memory_space<hbm>> -> memref<128x128xf32, #tpu.memory_space<hbm>>
      %dma_wait3A_367 = arith.constant 0 : i32
      %dma_wait3A_368 = tpu.memref_slice %arg4[%add3A_358, %mul3A_360, %dma_wait3A_367] : memref<50x4096x128xf32, #tpu.memory_space<hbm>> -> memref<1x128x128xf32, #tpu.memory_space<hbm>>
      %dma_wait3A_369 = tpu.memref_squeeze %dma_wait3A_368 : memref<1x128x128xf32, #tpu.memory_space<hbm>> -> memref<128x128xf32, #tpu.memory_space<hbm>>
      %dma_wait3A_370 = arith.constant 128 : i32
      %dma_wait3A_371 = arith.constant 0 : i32
      %dma_wait3A_372 = tpu.memref_slice %arg8[%dma_wait3A_370, %dma_wait3A_371] : memref<256x128xf32, #tpu.memory_space<vmem>> -> memref<128x128xf32, #tpu.memory_space<vmem>>
      tpu.wait_dma2 semaphore(%arg14 : memref<!tpu.dma_semaphore, #tpu.memory_space<semaphore_mem>>) src(%dma_wait3A_372 : memref<128x128xf32, #tpu.memory_space<vmem>>) dst(%dma_wait3A_369 : memref<128x128xf32, #tpu.memory_space<hbm>>)
      %add3A_373 = arith.constant 2 : i32
      %add3A_374 = arith.addi %add3A_288, %add3A_373 : i32
      %lt3A_375 = arith.constant 25 : i32
      %lt3A_376 = arith.cmpi slt, %add3A_374, %lt3A_375 : i32
      %convert_element_type3A_377 = arith.extui %lt3A_376 : i1 to i32
      %cond3A_378 = arith.constant 0 : i32
      %cond3A_379 = arith.cmpi ne, %convert_element_type3A_377, %cond3A_378 : i32
      scf.if %cond3A_379 {
        %add3A_380 = arith.constant 2 : i32
        %add3A_381 = arith.addi %add3A_288, %add3A_380 : i32
        %mul3A_382 = arith.constant 2 : i32
        %mul3A_383 = arith.muli %add3A_381, %mul3A_382 : i32
        %mul3A_384 = arith.constant 128 : i32
        %mul3A_385 = arith.muli %mul3A_383, %mul3A_384 : i32
        %dma_start3A_386 = arith.constant 0 : i32
        %dma_start3A_387 = tpu.memref_slice %arg5[%dma_start3A_386, %mul3A_385] : memref<1x6400xi32, #tpu.memory_space<vmem>> -> memref<1x256xi32, #tpu.memory_space<vmem>>
        %dma_start3A_388 = tpu.memref_squeeze %dma_start3A_387 : memref<1x256xi32, #tpu.memory_space<vmem>> -> memref<256xi32, #tpu.memory_space<vmem>>
        %dma_start3A_389 = arith.constant 0 : i32
        %dma_start3A_390 = arith.constant 0 : i32
        %dma_start3A_391 = tpu.memref_slice %arg3[%dma_start3A_389, %dma_start3A_390] : memref<100000x128xf32, #tpu.memory_space<hbm>> -> memref<100000x128xf32, #tpu.memory_space<hbm>>
        tpu.enqueue_indirect_dma source(%dma_start3A_391 : memref<100000x128xf32, #tpu.memory_space<hbm>>) target(%arg8 : memref<256x128xf32, #tpu.memory_space<vmem>>) offsets(%dma_start3A_388 : memref<256xi32, #tpu.memory_space<vmem>>) semaphore(%arg11 : memref<!tpu.dma_semaphore, #tpu.memory_space<semaphore_mem>>)
      } else {
      }
    }
    %scan3A_61 = arith.constant 8 : i32
    %mul3A_62 = arith.constant 128 : i32
    %mul3A_63 = arith.muli %add3A, %mul3A_62 : i32
    %dma_wait3A_64 = arith.constant 48 : i32
    %dma_wait3A_65 = arith.constant 0 : i32
    %dma_wait3A_66 = arith.constant 0 : i32
    %dma_wait3A_67 = tpu.memref_slice %arg6[%dma_wait3A_65, %dma_wait3A_66] : memref<256x128xf32, #tpu.memory_space<vmem>> -> memref<128x128xf32, #tpu.memory_space<vmem>>
    %dma_wait3A_68 = arith.constant 0 : i32
    %dma_wait3A_69 = tpu.memref_slice %arg4[%dma_wait3A_64, %mul3A_63, %dma_wait3A_68] : memref<50x4096x128xf32, #tpu.memory_space<hbm>> -> memref<1x128x128xf32, #tpu.memory_space<hbm>>
    %dma_wait3A_70 = tpu.memref_squeeze %dma_wait3A_69 : memref<1x128x128xf32, #tpu.memory_space<hbm>> -> memref<128x128xf32, #tpu.memory_space<hbm>>
    %dma_wait3A_71 = arith.constant 0 : i32
    %dma_wait3A_72 = tpu.memref_slice %arg4[%dma_wait3A_64, %mul3A_63, %dma_wait3A_71] : memref<50x4096x128xf32, #tpu.memory_space<hbm>> -> memref<1x128x128xf32, #tpu.memory_space<hbm>>
    %dma_wait3A_73 = tpu.memref_squeeze %dma_wait3A_72 : memref<1x128x128xf32, #tpu.memory_space<hbm>> -> memref<128x128xf32, #tpu.memory_space<hbm>>
    %dma_wait3A_74 = arith.constant 0 : i32
    %dma_wait3A_75 = arith.constant 0 : i32
    %dma_wait3A_76 = tpu.memref_slice %arg6[%dma_wait3A_74, %dma_wait3A_75] : memref<256x128xf32, #tpu.memory_space<vmem>> -> memref<128x128xf32, #tpu.memory_space<vmem>>
    tpu.wait_dma2 semaphore(%arg12 : memref<!tpu.dma_semaphore, #tpu.memory_space<semaphore_mem>>) src(%dma_wait3A_76 : memref<128x128xf32, #tpu.memory_space<vmem>>) dst(%dma_wait3A_73 : memref<128x128xf32, #tpu.memory_space<hbm>>)
    %mul3A_77 = arith.constant 128 : i32
    %mul3A_78 = arith.muli %add3A, %mul3A_77 : i32
    %dma_wait3A_79 = arith.constant 49 : i32
    %dma_wait3A_80 = arith.constant 128 : i32
    %dma_wait3A_81 = arith.constant 0 : i32
    %dma_wait3A_82 = tpu.memref_slice %arg6[%dma_wait3A_80, %dma_wait3A_81] : memref<256x128xf32, #tpu.memory_space<vmem>> -> memref<128x128xf32, #tpu.memory_space<vmem>>
    %dma_wait3A_83 = arith.constant 0 : i32
    %dma_wait3A_84 = tpu.memref_slice %arg4[%dma_wait3A_79, %mul3A_78, %dma_wait3A_83] : memref<50x4096x128xf32, #tpu.memory_space<hbm>> -> memref<1x128x128xf32, #tpu.memory_space<hbm>>
    %dma_wait3A_85 = tpu.memref_squeeze %dma_wait3A_84 : memref<1x128x128xf32, #tpu.memory_space<hbm>> -> memref<128x128xf32, #tpu.memory_space<hbm>>
    %dma_wait3A_86 = arith.constant 0 : i32
    %dma_wait3A_87 = tpu.memref_slice %arg4[%dma_wait3A_79, %mul3A_78, %dma_wait3A_86] : memref<50x4096x128xf32, #tpu.memory_space<hbm>> -> memref<1x128x128xf32, #tpu.memory_space<hbm>>
    %dma_wait3A_88 = tpu.memref_squeeze %dma_wait3A_87 : memref<1x128x128xf32, #tpu.memory_space<hbm>> -> memref<128x128xf32, #tpu.memory_space<hbm>>
    %dma_wait3A_89 = arith.constant 128 : i32
    %dma_wait3A_90 = arith.constant 0 : i32
    %dma_wait3A_91 = tpu.memref_slice %arg6[%dma_wait3A_89, %dma_wait3A_90] : memref<256x128xf32, #tpu.memory_space<vmem>> -> memref<128x128xf32, #tpu.memory_space<vmem>>
    tpu.wait_dma2 semaphore(%arg12 : memref<!tpu.dma_semaphore, #tpu.memory_space<semaphore_mem>>) src(%dma_wait3A_91 : memref<128x128xf32, #tpu.memory_space<vmem>>) dst(%dma_wait3A_88 : memref<128x128xf32, #tpu.memory_space<hbm>>)
    return
  }
}

</mosaic_0001>

<sc_bundles>
// kernel: kernel.3.cloned.1.call-start
scs
__scs_entry_jumppad:
0x0: {  	(pc) =	sbr.rel $0x88, $3  }
0x1: {  	(tag) =	ssettag $0x0;
	lr =	simm.s32 $0x1  }
0x2: {  	[smem:$0x3F9F] =	sst lr;
	_ =	strace $0xD0000000  }
0x3: {  	_ = 	snop  }
0x4: {  	_ = 	snop  }
0x5: {  	_ = 	snop  }
0x6: {  	_ = 	snop  }
0x7: {  	_ = 	snop  }
__scs_overlays_trampoline_lowered:
0x8: {  	[smem:$0x3FAE] =	sst s0  }
0x9: {  	[smem:$0x3FAF] =	sst s1  }
0xa: {  	[smem:$0x3FB0] =	sst s2  }
0xb: {  	[smem:$0x3FB1] =	sst s3  }
0xc: {  	[smem:$0x3FB2] =	sst s4  }
0xd: {  	[smem:$0x3FB3] =	sst s5  }
0xe: {  	[smem:$0x3FB4] =	sst s6  }
0xf: {  	[smem:$0x3FB5] =	sst s7  }
0x10: {  	[smem:$0x3FB6] =	sst s8  }
0x11: {  	[smem:$0x3FB7] =	sst s9;
	s0 =	simm.s32 @!p0 $0x0  }
0x12: {  	s1 =	sld [smem:$0x3F9D];
	s0 =	simm.s32 @p0 $0x1  }
0x13: {  	[smem:$0x3FB8] =	sst s0;
	s0 =	simm.s32 @!p1 $0x0  }
0x14: {  	s2 =	sld [smem:$0x3F9C];
	s0 =	simm.s32 @p1 $0x1  }
0x15: {  	[smem:$0x3FB9] =	sst s0;
	s0 =	simm.s32 @!p2 $0x0  }
0x16: {  	s3 =	sld [smem:$0x3FDB];
	s0 =	simm.s32 @p2 $0x1  }
0x17: {  	s4 =	simm.s32 $0x1BF5;
	[smem:$0x3FBB] =	sst s0  }
0x18: {  	s0 =	sld [smem:$0x3F9E];
	_ =	swait.ge [sflag:s4], $0x0  }
0x19: {  	s7 =	sld [smem:$0x3F9F]  }
0x1a: {  	s8 =	sadd.s32 $0xFFFFE003, lr  }
0x1b: {  	s9 =	sadd.s32 $0xFFFFFEF7, lr;
	s5 =	simm.s32 $0xFFFFFFFF;
	p2 =	slt.u32 s8, $0xFFFFF086  }
0x1c: {  	p1 =	slt.u32 s9, $0xF7A;
	s5 =	simm.s32 @!p2 $0x0  }
0x1d: {  	s5 =	simm.s32 @p1 $0x1;
	p0 =	seq.s32 s7, s2  }
0x1e: {  	s7 =	smul.u32 @!p0 $0xF7A, s2;
	p2 =	seq.s32 @!p0 s5, $0x0  }
0x1f: {  	s9 =	smul.u32 $0xF7A, s1;
	s8 =	simm.s32 @!p0 $0x1BF5;
	p2 =	por !p2, p0  }
0x20: {  	[sflag:s8] =	ssyncset.s32 @!p0 $0xFFFFF086;
	s6 =	sadd.s32 @!p0 s3, s7;
	s7 =	simm.s32 @!p0 $0x108  }
0x21: {  	s3 =	sadd.s32 s3, s9;
	s6 =	sadd.s32 @!p0 $0x88, s6;
	s7 =	simm.s32 @p2 $0x1082  }
0x22: {  	[simem:s7], [sflag:s8] =	dma.local @!p0 [hbm:s6], $0xF7A  }
0x23: {  	s9 =	sor.u32 $0xD0000000, s2;
	s6 =	simm.s32 $0x108;
	_ =	swait.ge @!p0 [sflag:s8], $0x0  }
0x24: {  	s3 =	sadd.s32 $0x88, s3;
	s6 =	simm.s32 @!p1 $0x1082;
	[sflag:s4] =	ssyncset.s32 $0xFFFFF086  }
0x25: {  	[simem:s6], [sflag:s4] =	dma.local [hbm:s3], $0xF7A  }
0x26: {  	[smem:$0x3F9F] =	sst s1;
	(tag) =	ssettag s2;
	_ =	strace s9  }
0x27: {  	s1 =	sld [smem:$0x3FAF]  }
0x28: {  	s2 =	sld [smem:$0x3FB0]  }
0x29: {  	s4 =	sld [smem:$0x3FB2]  }
0x2a: {  	p0 =	seq.s32 s5, $0x0;
	s5 =	sld [smem:$0x3FB3]  }
0x2b: {  	s6 =	sld [smem:$0x3FB4]  }
0x2c: {  	s7 =	sld [smem:$0x3FB5]  }
0x2d: {  	s3 =	simm.s32 $0x108;
	s8 =	sld [smem:$0x3FB6]  }
0x2e: {  	s3 =	simm.s32 @!p0 $0x1082;
	s9 =	sld [smem:$0x3FB7]  }
0x2f: {  	lr =	sadd.s32 s0, s3;
	s0 =	sld [smem:$0x3FAE]  }
0x30: {  	s3 =	sld [smem:$0x3FB1]  }
0x31: {  	[smem:$0x3FBA] =	sst s10  }
0x32: {  	s10 =	sld [smem:$0x3FB8];
	_ =	sdelay $0x3  }
0x33: {  	p0 =	seq.s32 s10, $0x1;
	s10 =	sld [smem:$0x3FBA];
	_ =	sdelay $0x3  }
0x34: {  	[smem:$0x3FBA] =	sst s10  }
0x35: {  	s10 =	sld [smem:$0x3FB9];
	_ =	sdelay $0x3  }
0x36: {  	p1 =	seq.s32 s10, $0x1;
	s10 =	sld [smem:$0x3FBA];
	_ =	sdelay $0x3  }
0x37: {  	[smem:$0x3FBA] =	sst s10  }
0x38: {  	s10 =	sld [smem:$0x3FBB]  }
0x39: {  	_ = 	snop;
	(pc) =	sbr.ind lr, $3  }
0x3a: {  	_ = 	snop  }
0x3b: {  	_ = 	snop  }
0x3c: {  	p2 =	seq.s32 s10, $0x1;
	s10 =	sld [smem:$0x3FBA]  }
0x3d: {  	_ =	shalt  }
0x3e: {  	_ =	shalt  }
0x3f: {  	_ =	shalt  }
0x40: {  	_ =	shalt  }
0x41: {  	_ =	shalt  }
0x42: {  	_ =	shalt  }
0x43: {  	_ =	shalt  }
0x44: {  	_ =	shalt  }
0x45: {  	_ =	shalt  }
0x46: {  	_ =	shalt  }
0x47: {  	_ =	shalt  }
0x48: {  	_ =	shalt  }
0x49: {  	_ =	shalt  }
0x4a: {  	_ =	shalt  }
0x4b: {  	_ =	shalt  }
0x4c: {  	_ =	shalt  }
0x4d: {  	_ =	shalt  }
0x4e: {  	_ =	shalt  }
0x4f: {  	_ =	shalt  }
0x50: {  	_ =	shalt  }
0x51: {  	_ =	shalt  }
0x52: {  	_ =	shalt  }
0x53: {  	_ =	shalt  }
0x54: {  	_ =	shalt  }
0x55: {  	_ =	shalt  }
0x56: {  	_ =	shalt  }
0x57: {  	_ =	shalt  }
0x58: {  	_ =	shalt  }
0x59: {  	_ =	shalt  }
0x5a: {  	_ =	shalt  }
0x5b: {  	_ =	shalt  }
0x5c: {  	_ =	shalt  }
0x5d: {  	_ =	shalt  }
0x5e: {  	_ =	shalt  }
0x5f: {  	_ =	shalt  }
0x60: {  	_ =	shalt  }
0x61: {  	_ =	shalt  }
0x62: {  	_ =	shalt  }
0x63: {  	_ =	shalt  }
0x64: {  	_ =	shalt  }
0x65: {  	_ =	shalt  }
0x66: {  	_ =	shalt  }
0x67: {  	_ =	shalt  }
0x68: {  	_ =	shalt  }
0x69: {  	_ =	shalt  }
0x6a: {  	_ =	shalt  }
0x6b: {  	_ =	shalt  }
0x6c: {  	_ =	shalt  }
0x6d: {  	_ =	shalt  }
0x6e: {  	_ =	shalt  }
0x6f: {  	_ =	shalt  }
0x70: {  	_ =	shalt  }
0x71: {  	_ =	shalt  }
0x72: {  	_ =	shalt  }
0x73: {  	_ =	shalt  }
0x74: {  	_ =	shalt  }
0x75: {  	_ =	shalt  }
0x76: {  	_ =	shalt  }
0x77: {  	_ =	shalt  }
0x78: {  	_ =	shalt  }
0x79: {  	_ =	shalt  }
0x7a: {  	_ =	shalt  }
0x7b: {  	_ =	shalt  }
0x7c: {  	_ =	shalt  }
0x7d: {  	_ =	shalt  }
0x7e: {  	_ =	shalt  }
0x7f: {  	_ =	shalt  }
0x80: {  	_ =	shalt  }
0x81: {  	_ =	shalt  }
0x82: {  	_ =	shalt  }
0x83: {  	_ =	shalt  }
0x84: {  	_ =	shalt  }
0x85: {  	_ =	shalt  }
0x86: {  	_ =	shalt  }
0x87: {  	_ =	shalt  }
.Lfunc_end0:
.L_simem_size_0:
called_computation_lowered:
.L_overlay_start_0:
0x88: {  	s2 =	sld [smem:$0x3FD9]  }
0x89: {  	s3 =	sld [smem:$0x3FFE];
	_ =	sdelay $0x1  }
0x8a: {  	s1 =	srdreg.scid  }
0x8b: {  	s0 =	sand.u32 $0x1, s1  }
0x8c: {  	s17 =	sshll.u32 s0, $0xA;
	s2 =	sadd.s32 s3, s2  }
0x8d: {  	s2 =	sadd.s32 s2, s17  }
0x8e: {  	[smem:$0x3FC6] =	sst s2  }
0x8f: {  	_ = 	snop  }
0x90: {  	s2 =	sld [smem:$0x3FC8]  }
0x91: {  	s18 =	sld [smem:$0x3FD0];
	(tm) =	ssettm $0x1  }
0x92: {  	s4 =	sld [smem:$0x3FFB];
	_ =	sdelay $0x3  }
0x93: {  	_ =	strace s4  }
0x94: {  	s4 =	sld [smem:$0x3FFC];
	_ =	sdelay $0x3  }
0x95: {  	_ =	strace s4  }
0x96: {  	s4 =	sld [smem:$0x3FFD];
	_ =	sdelay $0x3  }
0x97: {  	_ =	strace s4  }
0x98: {  	_ =	strace $0x8FFFFFFF  }
0x99: {  	s19 =	sld [smem:$0x3FDB];
	_ =	sdelay $0x1  }
0x9a: {  	s5 =	simm.s32 $_scs_section_size  }
0x9b: {  	s6 =	simm.s32 $_size__tile_overlayer_lowered;
	s7 =	simm.s32 $_tile_overlayer_lowered  }
0x9c: {  	s22 =	simm.s32 $0x1BFF;
	s21 =	sshll.u32 s7, $0x1;
	s4 =	sadd.s32 s5, s19  }
0x9d: {  	s8 =	simm.s32 $0x0;
	s20 =	sshll.u32 s6, $0x1;
	s6 =	sadd.s32 s21, s4  }
0x9e: {  	[timem:s8], [sflag:s22] =	dma.local [hbm:s6], s20  }
0x9f: {  	_ =	swait.ge [sflag:s22], s20  }
0xa0: {  	s5 =	ssub.s32 $0x0, s20;
	[sflag:s22] =	ssyncset.done $0x0  }
0xa1: {  	[sflag:s22] =	ssyncadd.s32 s5;
	_ =	sdelay $0x1  }
0xa2: {  	s23 =	simm.s32 $0x1B8B  }
0xa3: {  	_ =	swait.ge [sflag:s23], $0x1  }
0xa4: {  	[sflag:s23] =	ssyncset.done $0x0  }
0xa5: {  	s25 =	simm.s32 $0x1B8E;
	s24 =	sld [smem:$0x3FFE];
	[sflag:s23] =	ssyncadd.s32 $0xFFFFFFFF  }
0xa6: {  	s26 =	simm.s32 $execute0_lowered;
	[smem:$0x3FD2] =	sst s25  }
0xa7: {  	s6 =	sshll.u32 s26, $0x1;
	_ =	strace $0x80000046;
	[dreg:$0x1] =	wrdreg $0xFFFFFFFF  }
0xa8: {  	s28 =	simm.s32 $_size_execute0_lowered;
	s4 =	sadd.s32 s4, s6;
	[dreg:$0x0] =	wrdreg $0x0  }
0xa9: {  	s6 =	sshll.u32 s28, $0x1;
	[dreg:$0x2] =	wrdreg s4  }
0xaa: {  	[dreg:$0x3] =	wrdreg s6  }
0xab: {  	[dreg:$0x4] =	wrdreg $0xC0  }
0xac: {  	_ =	task [dreg:s8], $0x5FFFF  }
0xad: {  	[dreg:$0x1] =	wrdreg $0xFFFFFFFF  }
0xae: {  	[dreg:$0x0] =	wrdreg $0x60  }
0xaf: {  	[dreg:$0x2] =	wrdreg s24  }
0xb0: {  	[dreg:$0x3] =	wrdreg s2  }
0xb1: {  	[dreg:$0x4] =	wrdreg s18  }
0xb2: {  	[dreg:$0x5] =	wrdreg $0x9  }
0xb3: {  	_ =	task.clear_ibuf [dreg:s8], $0x6FFFF;
	_ =	strace $0x90000046  }
0xb4: {  	s29 =	simm.s32 $0x9;
	_ =	strace $0x80000048  }
0xb5: {  	_ =	swait.ge [sflag:s29], $0x1  }
0xb6: {  	[sflag:s29] =	ssyncadd.s32 $0xFFFFFFFF  }
0xb7: {  	_ =	strace $0x90000048  }
0xb8: {  	_ =	sfence  }
0xb9: {  	s30 =	sld [smem:$0x0];
	_ =	sdelay $0x2  }
0xba: {  	s31 =	sshll.u32 s1, $0xD;
	s1 =	sshrl.u32 s1, $0x2  }
0xbb: {  	s3 =	sand.u32 $0x4000, s31;
	s1 =	sadd.s32 s1, s30  }
0xbc: {  	s0 =	sor.u32 s3, s0;
	s1 =	sshll.u32 s1, $0x11  }
0xbd: {  	s0 =	sor.u32 s1, s0  }
0xbe: {  	s0 =	sadd.s32 $0x8F2B, s0  }
0xbf: {  	[sflag:s0] =	ssyncadd.remote.s32 $0x1  }
0xc0: {  	_ =	sfence.sel $0xFFFF  }
0xc1: {  	[dreg:$0x0] =	wrdreg $0xFFFFFFFF;
	(pc) =	sbr.abs _section_cstart, $3  }
0xc2: {  	[dreg:$0x1] =	wrdreg $0xFFFFFFFF  }
0xc3: {  	_ =	task.clear_ibuf [dreg:s8], $0x2FFFF;
	_ =	strace $0x9FFFFFFF  }
0xc4: {  	(tm) =	ssettm $0x7FFFFFFF  }
0xc5: {  	_ =	shalt  }
tec
execute0_lowered:
.L_overlay_start_1:
0x0: {  	(tag) =	ssettag $0x1  }
0x1: {  	s0 =	rddreg [dreg:$0x0]  }
0x2: {  	s1 =	srdreg.scid;
	s2 =	rddreg [dreg:$0x1]  }
0x3: {  	s8 =	stileid.u32;
	s3 =	rddreg [dreg:$0x2];
	s15 =	simm.s32 $0x7  }
0x4: {  	s16 =	simm.s32 $0x100;
	s17 =	simm.s32 $0x1900;
	s18 =	simm.s32 $0x9900  }
0x5: {  	s19 =	simm.s32 $0x1;
	s28 =	simm.s32 $0x15900;
	s29 =	simm.s32 $0x5  }
0x6: {  	s30 =	simm.s32 $0x6;
	s1 =	sand.u32 $0x1, s1;
	s4 =	sshll.u32 s8, $0x1  }
0x7: {  	s31 =	simm.s32 $0x0;
	s21 =	sshll.u32 s8, $0xF;
	s6 =	sor.u32 s1, s4  }
0x8: {  	s4 =	simm.s32 $0x0;
	s7 =	ssub.s32 $0x2, s1;
	s1 =	sshll.u32 s1, $0xE  }
0x9: {  	s5 =	smul.u32 $0x320, s6;
	[smem:$0x7FF] =	sst s4;
	s20 =	sshrl.u32 s7, $0x1  }
0xa: {  	s22 =	sshll.u32 s6, $0xB;
	s1 =	sor.u32 s1, s21;
	_ =	strace $0x80000047  }
0xb: {  	s9 =	ssub.s32 s7, s20;
	s23 =	sadd.s32 s3, s22;
	s7 =	sadd.s32 $0x10000, s3  }
0xc: {  	s10 =	sor.u32 $0x280000, s1;
	s25 =	sor.u32 $0x200000, s1;
	s11 =	sor.u32 $0x180000, s1  }
0xd: {  	s13 =	sor.u32 $0x100000, s1;
	s20 =	simm.s32 $0x5900;
	s0 =	sadd.s32 s5, s0  }
0xe: {  	[dreg:$0x5] =	wrdreg s23;
	s9 =	smax.u32 s9, $0x1;
	s24 =	sshrl.u32 s10, $0x3  }
0xf: {  	s12 =	sshrl.u32 s11, $0x3;
	s26 =	sshrl.u32 s13, $0x3;
	s23 =	simm.s32 $0x2  }
.Ltmp0:
0x10: {  	s0 =	sadd.s32 $0x400, s0;
	s10 =	sadd.s32 s24, s3;
	(pc) =	sbr.rel .LBB2_1-.Ltmp0, $4  }
0x11: {  	s12 =	sadd.s32 s12, s3;
	s13 =	sadd.s32 s26, s3;
	s24 =	simm.s32 $0xD900  }
0x12: {  	s26 =	simm.s32 $0x3;
	[dreg:$0x4] =	wrdreg s0;
	s0 =	sadd.s32 s22, s7  }
0x13: {  	s22 =	simm.s32 $0x11900;
	[dreg:$0x6] =	wrdreg s0;
	s0 =	sshrl.u32 s25, $0x3  }
0x14: {  	s25 =	simm.s32 $0x4;
	s11 =	sadd.s32 s0, s3;
	s0 =	sor.u32 $0x300000, s1  }
.LBB2_4:
0x15: {  	s31 =	sadd.s32 $0x1, s31  }
0x16: {  	_ =	swait.ge [sflag:s25], $0x4000;
	p0 =	sne.s32 s31, s9  }
.Ltmp1:
0x17: {  	[sflag:s25] =	ssyncset.done $0x0;
	(pc) =	sbr.rel @!p0 .LBB2_5-.Ltmp1, $4  }
0x18: {  	[sflag:s25] =	ssyncadd.s32 $0xFFFFC000  }
0x19: {  	_ =	swait.ge [sflag:s25], $0x4000  }
0x1a: {  	[sflag:s25] =	ssyncset.done $0x0  }
0x1b: {  	[sflag:s25] =	ssyncadd.s32 $0xFFFFC000  }
.LBB2_1:
0x1c: {  	s1 =	rddreg [dreg:$0x4]  }
0x1d: {  	[tilespmem:s4], [sflag:$0x7] =	stream.linear.gather [hbm4b:s1+s4], $0x1900, $0x38;
	[tilespmem:$0x19900] =	vst v63  }
0x1e: {  	_ =	swait.ge [sflag:s15], $0x1900  }
0x1f: {  	[sflag:s15] =	ssyncset.done $0x0  }
0x20: {  	[sflag:s15] =	ssyncadd.s32 $0xFFFFE700  }
0x21: {  	[tilespmem:s17], [sflag:$0x1] =	stream.indirect.gather [hbm4b:s2+s16], $0x80, s4, s16, $0xb8;
	[tilespmem:$0x19900] =	vst v63  }
0x22: {  	_ = 	snop  }
0x23: {  	[tilespmem:s18], [sflag:$0x2] =	stream.indirect.gather [hbm4b:s2+s16], $0x80, s16, s16, $0xb8;
	[tilespmem:$0x19900] =	vst v63  }
0x24: {  	_ =	swait.ge [sflag:s19], $0x8000  }
0x25: {  	[sflag:s19] =	ssyncset.done $0x0  }
0x26: {  	s8 =	rddreg [dreg:$0x5];
	[sflag:s19] =	ssyncadd.s32 $0xFFFF8000  }
0x27: {  	[hbm4b:s8+s4] =	stream.linear.scatter [tilespmem:s17], [sflag:$0x4], $0x4000, $0x38;
	[tilespmem:$0x19900] =	vst v63  }
0x28: {  	s14 =	rddreg [dreg:$0x6]  }
0x29: {  	[hbm4b:s14+s4] =	stream.linear.scatter [tilespmem:s20], [sflag:$0x4], $0x4000, $0x38;
	[tilespmem:$0x19900] =	vst v63  }
0x2a: {  	s21 =	simm.s32 $0x200  }
0x2b: {  	[tilespmem:s22], [sflag:$0x3] =	stream.indirect.gather [hbm4b:s2+s16], $0x80, s21, s16, $0xb8;
	[tilespmem:$0x19900] =	vst v63  }
0x2c: {  	s1 =	simm.s32 $0x500;
	s14 =	smov.u32 s0;
	s21 =	simm.s32 $0x0  }
.LBB2_2:
0x2d: {  	_ =	swait.ge [sflag:s23], $0x8000  }
0x2e: {  	[sflag:s23] =	ssyncset.done $0x0  }
0x2f: {  	s5 =	sadd.s32 s21, s13;
	[sflag:s23] =	ssyncadd.s32 $0xFFFF8000  }
0x30: {  	[hbm4b:s5+s4] =	stream.linear.scatter [tilespmem:s18], [sflag:$0x5], $0x4000, $0x38;
	[tilespmem:$0x19900] =	vst v63  }
0x31: {  	s8 =	sadd.s32 s21, s12  }
0x32: {  	[hbm4b:s8+s4] =	stream.linear.scatter [tilespmem:s24], [sflag:$0x5], $0x4000, $0x38;
	[tilespmem:$0x19900] =	vst v63  }
0x33: {  	_ =	swait.ge [sflag:s25], $0x4000  }
0x34: {  	[sflag:s25] =	ssyncset.done $0x0  }
0x35: {  	[sflag:s25] =	ssyncadd.s32 $0xFFFFC000  }
0x36: {  	_ =	swait.ge [sflag:s25], $0x4000  }
0x37: {  	[sflag:s25] =	ssyncset.done $0x0  }
0x38: {  	s6 =	sadd.s32 $0xFFFFFE00, s1;
	[sflag:s25] =	ssyncadd.s32 $0xFFFFC000  }
0x39: {  	[tilespmem:s17], [sflag:$0x1] =	stream.indirect.gather [hbm4b:s2+s16], $0x80, s6, s16, $0xb8;
	[tilespmem:$0x19900] =	vst v63  }
0x3a: {  	_ =	swait.ge [sflag:s26], $0x8000  }
0x3b: {  	[sflag:s26] =	ssyncset.done $0x0  }
0x3c: {  	s8 =	sadd.s32 s21, s11;
	[sflag:s26] =	ssyncadd.s32 $0xFFFF8000  }
0x3d: {  	[hbm4b:s8+s4] =	stream.linear.scatter [tilespmem:s22], [sflag:$0x6], $0x4000, $0x38;
	[tilespmem:$0x19900] =	vst v63  }
0x3e: {  	s6 =	sadd.s32 s21, s10  }
0x3f: {  	[hbm4b:s6+s4] =	stream.linear.scatter [tilespmem:s28], [sflag:$0x6], $0x4000, $0x38;
	[tilespmem:$0x19900] =	vst v63  }
0x40: {  	_ =	swait.ge [sflag:s29], $0x4000  }
0x41: {  	[sflag:s29] =	ssyncset.done $0x0  }
0x42: {  	[sflag:s29] =	ssyncadd.s32 $0xFFFFC000  }
0x43: {  	p0 =	seq.s32 s21, $0x2A0000;
	_ =	swait.ge [sflag:s29], $0x4000  }
0x44: {  	s5 =	sadd.s32 @!p0 $0xFFFFFF00, s1;
	[sflag:s29] =	ssyncset.done $0x0  }
0x45: {  	s8 =	simm.s32 @!p0 $0x9900;
	s6 =	simm.s32 @!p0 $0x100;
	[sflag:s29] =	ssyncadd.s32 $0xFFFFC000  }
0x46: {  	[tilespmem:s8], [sflag:$0x2] =	stream.indirect.gather @!p0 [hbm4b:s2+s6], $0x80, s5, s6, $0xb8;
	[tilespmem:$0x19900] =	vst v63  }
0x47: {  	_ =	swait.ge [sflag:s19], $0x8000  }
0x48: {  	s5 =	sshrl.u32 s14, $0x3;
	[sflag:s19] =	ssyncset.done $0x0  }
0x49: {  	s8 =	sadd.s32 s3, s5;
	[sflag:s19] =	ssyncadd.s32 $0xFFFF8000  }
0x4a: {  	[hbm4b:s8+s4] =	stream.linear.scatter [tilespmem:s17], [sflag:$0x4], $0x4000, $0x38;
	[tilespmem:$0x19900] =	vst v63  }
0x4b: {  	s5 =	sadd.s32 s5, s7  }
0x4c: {  	[hbm4b:s5+s4] =	stream.linear.scatter [tilespmem:s20], [sflag:$0x4], $0x4000, $0x38;
	[tilespmem:$0x19900] =	vst v63  }
0x4d: {  	_ =	swait.ge [sflag:s30], $0x4000  }
.Ltmp2:
0x4e: {  	[sflag:s30] =	ssyncset.done $0x0;
	(pc) =	sbr.rel @p0 .LBB2_4-.Ltmp2, $4  }
0x4f: {  	[sflag:s30] =	ssyncadd.s32 $0xFFFFC000  }
0x50: {  	_ =	swait.ge [sflag:s30], $0x4000  }
0x51: {  	[sflag:s30] =	ssyncset.done $0x0  }
0x52: {  	[sflag:s30] =	ssyncadd.s32 $0xFFFFC000  }
.Ltmp3:
0x53: {  	(pc) =	sbr.rel .LBB2_2-.Ltmp3, $3  }
0x54: {  	_ =	sdelay $0x1  }
0x55: {  	[tilespmem:s22], [sflag:$0x3] =	stream.indirect.gather [hbm4b:s2+s16], $0x80, s1, s16, $0xb8;
	[tilespmem:$0x19900] =	vst v63  }
0x56: {  	s1 =	sadd.s32 $0x300, s1;
	s21 =	sadd.s32 $0x60000, s21;
	s14 =	sadd.s32 $0x300000, s14  }
.LBB2_5:
0x57: {  	_ =	sfence.sel $0x180000  }
0x58: {  	[bflag:$0x0] =	sbarrier.arrive $0xFFFF  }
0x59: {  	_ =	strace $0x90000047  }
0x5a: {  	s0 =	stileid.u32;
	[bflag:$0x2] =	sbarrier.arrive $0xFFFF  }
0x5b: {  	p0 =	sne.s32 s0, $0x0;
	s0 =	rddreg [dreg:$0x3]  }
0x5c: {  	s0 =	sadd.s32 @!p0 $0x100000, s0  }
0x5d: {  	[sflag:s0] =	ssyncadd.tile.s32 @!p0 $0x1;
	_ =	shalt  }
.Lfunc_end2:
_tile_overlayer_lowered:
.L_overlay_start_2:
0x5e: {  	(tag) =	ssettag $0x2  }
0x5f: {  	s0 =	rddreg [dreg:$0x0];
	s2 =	stileid.u32  }
0x60: {  	s1 =	rddreg [dreg:$0x1];
	p0 =	sne.s32 s2, $0x0  }
0x61: {  	s3 =	rddreg [dreg:$0x2];
	[bflag:$0x3] =	sbarrier.arrive $0xFFFF;
	s2 =	simm.s32 @!p0 $0x1C07  }
0x62: {  	[timem:s3], [sflag:s2] =	dma.local @!p0 [hbm:s0], s1  }
0x63: {  	s0 =	simm.s32 @!p0 $0x7  }
0x64: {  	_ =	swait.ge @!p0 [sflag:s0], s1  }
0x65: {  	s1 =	ssub.s32 @!p0 $0x0, s1;
	[sflag:s0] =	ssyncset.done @!p0 $0x0  }
0x66: {  	[sflag:s0] =	ssyncadd.s32 @!p0 s1  }
0x67: {  	[bflag:$0x3] =	sbarrier.arrive $0xFFFF  }
0x68: {  	_ =	shalt  }

</sc_bundles>
